<compile_context>
chip_gen: v7x
topology: tpu7x:2x2x1
jax: 0.10.2.dev20260603
libtpu: 0.0.44.dev20260713+nightly
codegen_flags: <defaults>
</compile_context>

<pallas_src>
import functools

import jax
import jax.numpy as jnp
from jax import lax
from jax.experimental import pallas as pl
from jax.experimental.pallas import tpu as pltpu
from jax.experimental.pallas import tpu_sc as plsc

STEPS = 100000
EMBED_DIM = 128
BATCH = 16384

_INFO = plsc.get_sparse_core_info()
_NC = _INFO.num_cores
_NS = _INFO.num_subcores
_NW = _NC * _NS
_B_PER_W = BATCH // _NW


_SIZES = (128, 128, 128, 128)
_OFFS = (0, 128, 256, 384)
_NCHUNK = len(_SIZES)
_IDX_HALF = _B_PER_W // 2


@functools.partial(
    pl.kernel,
    mesh=plsc.VectorSubcoreMesh(core_axis_name="c", subcore_axis_name="s"),
    out_type=jax.ShapeDtypeStruct((BATCH, EMBED_DIM), jnp.float32),
    scratch_types=[
        pltpu.VMEM((_B_PER_W,), jnp.int32),
        pltpu.VMEM((_B_PER_W, EMBED_DIM), jnp.float32),
    ]
    + [pltpu.SemaphoreType.DMA] * 2
    + [pltpu.SemaphoreType.DMA] * _NCHUNK
    + [pltpu.SemaphoreType.DMA],
)
def _gather_rows(table_hbm, idx_hbm, out_hbm, idx_v, rows_v, *sems):
    isems, gsems, osem = sems[:2], sems[2 : 2 + _NCHUNK], sems[2 + _NCHUNK]
    wid = lax.axis_index("s") * _NC + lax.axis_index("c")
    base = wid * _B_PER_W
    idx_loads = [
        pltpu.async_copy(
            idx_hbm.at[pl.ds(base + h * _IDX_HALF, _IDX_HALF)],
            idx_v.at[pl.ds(h * _IDX_HALF, _IDX_HALF)],
            isems[h],
        )
        for h in range(2)
    ]
    gathers = []
    for h in range(2):
        idx_loads[h].wait()
        for c in range(_NCHUNK):
            lo, hi = h * _IDX_HALF, (h + 1) * _IDX_HALF
            if lo <= _OFFS[c] < hi:
                gathers.append(
                    pltpu.async_copy(
                        table_hbm.at[idx_v.at[pl.ds(_OFFS[c], _SIZES[c])]],
                        rows_v.at[pl.ds(_OFFS[c], _SIZES[c])],
                        gsems[c],
                    )
                )
    stores = []
    for c in range(_NCHUNK):
        gathers[c].wait()
        stores.append(
            pltpu.async_copy(
                rows_v.at[pl.ds(_OFFS[c], _SIZES[c])],
                out_hbm.at[pl.ds(base + _OFFS[c], _SIZES[c])],
                osem,
            )
        )
    for st in stores:
        st.wait()


def kernel(x, t, embeddings):
    out = _gather_rows(embeddings, t)
    return out[:, :, None, None]

# --- scband reference (transcript-rebuilt; emitter-appended) ---
"""Pipeline reference for scband-time-embedding-76914274336918 (READ-ONLY COPY).

The authoritative reference and input builder live on the scoring server;
editing this copy changes nothing except your own understanding.
"""

import jax, jax.numpy as jnp
import numpy as np
import math

STEPS = 100000
EMBED_DIM = 128
BATCH = 16384


def _build_table():
    # Faithful reproduction of the torch __init__ sinusoidal table construction.
    div = np.exp(np.arange(0, EMBED_DIM, 2).astype(np.float32) * -(math.log(10000.0) / EMBED_DIM))
    pos = np.arange(STEPS).astype(np.float32)[:, None]
    angle = pos * div[None, :]
    emb = np.zeros((STEPS, EMBED_DIM), dtype=np.float32)
    emb[:, 0::2] = np.sin(angle)
    emb[:, 1::2] = np.cos(angle)
    return jnp.asarray(emb)


def setup_inputs(seed: int = 0) -> dict:
    key = jax.random.key(seed)
    k1, k2 = jax.random.split(key)
    x = jnp.zeros((BATCH, 1), dtype=jnp.float32)  # the unused '_' positional arg
    t = jax.random.randint(k2, (BATCH,), 0, STEPS, dtype=jnp.int32)
    embeddings = _build_table()
    return {"x": x, "t": t, "embeddings": embeddings}


def reference(x, t, embeddings):
    # forward(self, _, t): return self.embeddings[t][:, :, None, None]
    out = jnp.take(embeddings, t, axis=0)  # gather -> [B, embed_dim]
    return out[:, :, None, None]          # [B, embed_dim, 1, 1]

if __name__ == "__main__":
    import jax
    _d = setup_inputs()
    print(jax.jit(kernel)(*tuple(_d.values())))

</pallas_src>

<mosaic_0001>
#map = affine_map<(d0, d1) -> (0, 0)>
#map1 = affine_map<(d0, d1) -> (0)>
module attributes {stable_mosaic.version = 14 : i64} {
  func.func @_gather_rows(%arg0: i32, %arg1: i32, %arg2: memref<100000x128xf32, #tpu.memory_space<hbm>>, %arg3: memref<16384xi32, #tpu.memory_space<hbm>>, %arg4: memref<16384x128xf32, #tpu.memory_space<hbm>>, %arg5: memref<512xi32, #tpu.memory_space<vmem>>, %arg6: memref<512x128xf32, #tpu.memory_space<vmem>>, %arg7: memref<!tpu.dma_semaphore, #tpu.memory_space<semaphore_mem>>, %arg8: memref<!tpu.dma_semaphore, #tpu.memory_space<semaphore_mem>>, %arg9: memref<!tpu.dma_semaphore, #tpu.memory_space<semaphore_mem>>, %arg10: memref<!tpu.dma_semaphore, #tpu.memory_space<semaphore_mem>>, %arg11: memref<!tpu.dma_semaphore, #tpu.memory_space<semaphore_mem>>, %arg12: memref<!tpu.dma_semaphore, #tpu.memory_space<semaphore_mem>>, %arg13: memref<!tpu.dma_semaphore, #tpu.memory_space<semaphore_mem>>) attributes {dimension_semantics = [#tpu.dimension_semantics<core_parallel>, #tpu.dimension_semantics<subcore_parallel>], iteration_bounds = array<i64: 2, 16>, scalar_prefetch = 0 : i64, scratch_operands = 9 : i64, tpu.core_type = #tpu.core_type<sc_vector_subcore>, window_params = [{transform_indices = #map}, {transform_indices = #map1}, {transform_indices = #map}]} {
    %mul3A = arith.constant 2 : i32
    %mul3A_0 = arith.muli %arg1, %mul3A : i32
    %add3A = arith.addi %mul3A_0, %arg0 : i32
    %mul3A_1 = arith.constant 512 : i32
    %mul3A_2 = arith.muli %add3A, %mul3A_1 : i32
    %add3A_3 = arith.constant 0 : i32
    %add3A_4 = arith.addi %mul3A_2, %add3A_3 : i32
    %dma_start3A = arith.constant 0 : i32
    %dma_start3A_5 = tpu.memref_slice %arg5[%dma_start3A] : memref<512xi32, #tpu.memory_space<vmem>> -> memref<256xi32, #tpu.memory_space<vmem>>
    %dma_start3A_6 = tpu.memref_slice %arg3[%add3A_4] : memref<16384xi32, #tpu.memory_space<hbm>> -> memref<256xi32, #tpu.memory_space<hbm>>
    %dma_start3A_7 = arith.constant 0 : i32
    %dma_start3A_8 = tpu.memref_slice %arg5[%dma_start3A_7] : memref<512xi32, #tpu.memory_space<vmem>> -> memref<256xi32, #tpu.memory_space<vmem>>
    %dma_start3A_9 = tpu.memref_slice %arg3[%add3A_4] : memref<16384xi32, #tpu.memory_space<hbm>> -> memref<256xi32, #tpu.memory_space<hbm>>
    tpu.enqueue_dma source(%dma_start3A_9 : memref<256xi32, #tpu.memory_space<hbm>>) target(%dma_start3A_8 : memref<256xi32, #tpu.memory_space<vmem>>) target_semaphore(%arg7 : memref<!tpu.dma_semaphore, #tpu.memory_space<semaphore_mem>>)
    %add3A_10 = arith.constant 256 : i32
    %add3A_11 = arith.addi %mul3A_2, %add3A_10 : i32
    %dma_start3A_12 = arith.constant 256 : i32
    %dma_start3A_13 = tpu.memref_slice %arg5[%dma_start3A_12] : memref<512xi32, #tpu.memory_space<vmem>> -> memref<256xi32, #tpu.memory_space<vmem>>
    %dma_start3A_14 = tpu.memref_slice %arg3[%add3A_11] : memref<16384xi32, #tpu.memory_space<hbm>> -> memref<256xi32, #tpu.memory_space<hbm>>
    %dma_start3A_15 = arith.constant 256 : i32
    %dma_start3A_16 = tpu.memref_slice %arg5[%dma_start3A_15] : memref<512xi32, #tpu.memory_space<vmem>> -> memref<256xi32, #tpu.memory_space<vmem>>
    %dma_start3A_17 = tpu.memref_slice %arg3[%add3A_11] : memref<16384xi32, #tpu.memory_space<hbm>> -> memref<256xi32, #tpu.memory_space<hbm>>
    tpu.enqueue_dma source(%dma_start3A_17 : memref<256xi32, #tpu.memory_space<hbm>>) target(%dma_start3A_16 : memref<256xi32, #tpu.memory_space<vmem>>) target_semaphore(%arg8 : memref<!tpu.dma_semaphore, #tpu.memory_space<semaphore_mem>>)
    %dma_wait3A = arith.constant 0 : i32
    %dma_wait3A_18 = tpu.memref_slice %arg5[%dma_wait3A] : memref<512xi32, #tpu.memory_space<vmem>> -> memref<256xi32, #tpu.memory_space<vmem>>
    %dma_wait3A_19 = tpu.memref_slice %arg3[%add3A_4] : memref<16384xi32, #tpu.memory_space<hbm>> -> memref<256xi32, #tpu.memory_space<hbm>>
    %dma_wait3A_20 = arith.constant 0 : i32
    %dma_wait3A_21 = tpu.memref_slice %arg5[%dma_wait3A_20] : memref<512xi32, #tpu.memory_space<vmem>> -> memref<256xi32, #tpu.memory_space<vmem>>
    %dma_wait3A_22 = tpu.memref_slice %arg3[%add3A_4] : memref<16384xi32, #tpu.memory_space<hbm>> -> memref<256xi32, #tpu.memory_space<hbm>>
    tpu.wait_dma2 semaphore(%arg7 : memref<!tpu.dma_semaphore, #tpu.memory_space<semaphore_mem>>) src(%dma_wait3A_22 : memref<256xi32, #tpu.memory_space<hbm>>) dst(%dma_wait3A_21 : memref<256xi32, #tpu.memory_space<vmem>>)
    %dma_start3A_23 = arith.constant 0 : i32
    %dma_start3A_24 = arith.constant 0 : i32
    %dma_start3A_25 = tpu.memref_slice %arg6[%dma_start3A_23, %dma_start3A_24] : memref<512x128xf32, #tpu.memory_space<vmem>> -> memref<128x128xf32, #tpu.memory_space<vmem>>
    %dma_start3A_26 = arith.constant 0 : i32
    %dma_start3A_27 = tpu.memref_slice %arg5[%dma_start3A_26] : memref<512xi32, #tpu.memory_space<vmem>> -> memref<128xi32, #tpu.memory_space<vmem>>
    %dma_start3A_28 = arith.constant 0 : i32
    %dma_start3A_29 = arith.constant 0 : i32
    %dma_start3A_30 = tpu.memref_slice %arg2[%dma_start3A_28, %dma_start3A_29] : memref<100000x128xf32, #tpu.memory_space<hbm>> -> memref<100000x128xf32, #tpu.memory_space<hbm>>
    tpu.enqueue_indirect_dma source(%dma_start3A_30 : memref<100000x128xf32, #tpu.memory_space<hbm>>) target(%dma_start3A_25 : memref<128x128xf32, #tpu.memory_space<vmem>>) offsets(%dma_start3A_27 : memref<128xi32, #tpu.memory_space<vmem>>) semaphore(%arg9 : memref<!tpu.dma_semaphore, #tpu.memory_space<semaphore_mem>>)
    %dma_start3A_31 = arith.constant 128 : i32
    %dma_start3A_32 = arith.constant 0 : i32
    %dma_start3A_33 = tpu.memref_slice %arg6[%dma_start3A_31, %dma_start3A_32] : memref<512x128xf32, #tpu.memory_space<vmem>> -> memref<128x128xf32, #tpu.memory_space<vmem>>
    %dma_start3A_34 = arith.constant 128 : i32
    %dma_start3A_35 = tpu.memref_slice %arg5[%dma_start3A_34] : memref<512xi32, #tpu.memory_space<vmem>> -> memref<128xi32, #tpu.memory_space<vmem>>
    %dma_start3A_36 = arith.constant 0 : i32
    %dma_start3A_37 = arith.constant 0 : i32
    %dma_start3A_38 = tpu.memref_slice %arg2[%dma_start3A_36, %dma_start3A_37] : memref<100000x128xf32, #tpu.memory_space<hbm>> -> memref<100000x128xf32, #tpu.memory_space<hbm>>
    tpu.enqueue_indirect_dma source(%dma_start3A_38 : memref<100000x128xf32, #tpu.memory_space<hbm>>) target(%dma_start3A_33 : memref<128x128xf32, #tpu.memory_space<vmem>>) offsets(%dma_start3A_35 : memref<128xi32, #tpu.memory_space<vmem>>) semaphore(%arg10 : memref<!tpu.dma_semaphore, #tpu.memory_space<semaphore_mem>>)
    %dma_wait3A_39 = arith.constant 256 : i32
    %dma_wait3A_40 = tpu.memref_slice %arg5[%dma_wait3A_39] : memref<512xi32, #tpu.memory_space<vmem>> -> memref<256xi32, #tpu.memory_space<vmem>>
    %dma_wait3A_41 = tpu.memref_slice %arg3[%add3A_11] : memref<16384xi32, #tpu.memory_space<hbm>> -> memref<256xi32, #tpu.memory_space<hbm>>
    %dma_wait3A_42 = arith.constant 256 : i32
    %dma_wait3A_43 = tpu.memref_slice %arg5[%dma_wait3A_42] : memref<512xi32, #tpu.memory_space<vmem>> -> memref<256xi32, #tpu.memory_space<vmem>>
    %dma_wait3A_44 = tpu.memref_slice %arg3[%add3A_11] : memref<16384xi32, #tpu.memory_space<hbm>> -> memref<256xi32, #tpu.memory_space<hbm>>
    tpu.wait_dma2 semaphore(%arg8 : memref<!tpu.dma_semaphore, #tpu.memory_space<semaphore_mem>>) src(%dma_wait3A_44 : memref<256xi32, #tpu.memory_space<hbm>>) dst(%dma_wait3A_43 : memref<256xi32, #tpu.memory_space<vmem>>)
    %dma_start3A_45 = arith.constant 256 : i32
    %dma_start3A_46 = arith.constant 0 : i32
    %dma_start3A_47 = tpu.memref_slice %arg6[%dma_start3A_45, %dma_start3A_46] : memref<512x128xf32, #tpu.memory_space<vmem>> -> memref<128x128xf32, #tpu.memory_space<vmem>>
    %dma_start3A_48 = arith.constant 256 : i32
    %dma_start3A_49 = tpu.memref_slice %arg5[%dma_start3A_48] : memref<512xi32, #tpu.memory_space<vmem>> -> memref<128xi32, #tpu.memory_space<vmem>>
    %dma_start3A_50 = arith.constant 0 : i32
    %dma_start3A_51 = arith.constant 0 : i32
    %dma_start3A_52 = tpu.memref_slice %arg2[%dma_start3A_50, %dma_start3A_51] : memref<100000x128xf32, #tpu.memory_space<hbm>> -> memref<100000x128xf32, #tpu.memory_space<hbm>>
    tpu.enqueue_indirect_dma source(%dma_start3A_52 : memref<100000x128xf32, #tpu.memory_space<hbm>>) target(%dma_start3A_47 : memref<128x128xf32, #tpu.memory_space<vmem>>) offsets(%dma_start3A_49 : memref<128xi32, #tpu.memory_space<vmem>>) semaphore(%arg11 : memref<!tpu.dma_semaphore, #tpu.memory_space<semaphore_mem>>)
    %dma_start3A_53 = arith.constant 384 : i32
    %dma_start3A_54 = arith.constant 0 : i32
    %dma_start3A_55 = tpu.memref_slice %arg6[%dma_start3A_53, %dma_start3A_54] : memref<512x128xf32, #tpu.memory_space<vmem>> -> memref<128x128xf32, #tpu.memory_space<vmem>>
    %dma_start3A_56 = arith.constant 384 : i32
    %dma_start3A_57 = tpu.memref_slice %arg5[%dma_start3A_56] : memref<512xi32, #tpu.memory_space<vmem>> -> memref<128xi32, #tpu.memory_space<vmem>>
    %dma_start3A_58 = arith.constant 0 : i32
    %dma_start3A_59 = arith.constant 0 : i32
    %dma_start3A_60 = tpu.memref_slice %arg2[%dma_start3A_58, %dma_start3A_59] : memref<100000x128xf32, #tpu.memory_space<hbm>> -> memref<100000x128xf32, #tpu.memory_space<hbm>>
    tpu.enqueue_indirect_dma source(%dma_start3A_60 : memref<100000x128xf32, #tpu.memory_space<hbm>>) target(%dma_start3A_55 : memref<128x128xf32, #tpu.memory_space<vmem>>) offsets(%dma_start3A_57 : memref<128xi32, #tpu.memory_space<vmem>>) semaphore(%arg12 : memref<!tpu.dma_semaphore, #tpu.memory_space<semaphore_mem>>)
    %dma_wait3A_61 = arith.constant 0 : i32
    %dma_wait3A_62 = arith.constant 0 : i32
    %dma_wait3A_63 = tpu.memref_slice %arg6[%dma_wait3A_61, %dma_wait3A_62] : memref<512x128xf32, #tpu.memory_space<vmem>> -> memref<128x128xf32, #tpu.memory_space<vmem>>
    %dma_wait3A_64 = arith.constant 0 : i32
    %dma_wait3A_65 = tpu.memref_slice %arg5[%dma_wait3A_64] : memref<512xi32, #tpu.memory_space<vmem>> -> memref<128xi32, #tpu.memory_space<vmem>>
    %dma_wait3A_66 = arith.constant 0 : i32
    %dma_wait3A_67 = arith.constant 0 : i32
    %dma_wait3A_68 = tpu.memref_slice %arg2[%dma_wait3A_66, %dma_wait3A_67] : memref<100000x128xf32, #tpu.memory_space<hbm>> -> memref<100000x128xf32, #tpu.memory_space<hbm>>
    tpu.wait_indirect_dma semaphore(%arg9 : memref<!tpu.dma_semaphore, #tpu.memory_space<semaphore_mem>>) src(%dma_wait3A_68 : memref<100000x128xf32, #tpu.memory_space<hbm>>) dst(%dma_wait3A_63 : memref<128x128xf32, #tpu.memory_space<vmem>>)
    %add3A_69 = arith.constant 0 : i32
    %add3A_70 = arith.addi %mul3A_2, %add3A_69 : i32
    %dma_start3A_71 = arith.constant 0 : i32
    %dma_start3A_72 = arith.constant 0 : i32
    %dma_start3A_73 = tpu.memref_slice %arg6[%dma_start3A_71, %dma_start3A_72] : memref<512x128xf32, #tpu.memory_space<vmem>> -> memref<128x128xf32, #tpu.memory_space<vmem>>
    %dma_start3A_74 = arith.constant 0 : i32
    %dma_start3A_75 = tpu.memref_slice %arg4[%add3A_70, %dma_start3A_74] : memref<16384x128xf32, #tpu.memory_space<hbm>> -> memref<128x128xf32, #tpu.memory_space<hbm>>
    %dma_start3A_76 = arith.constant 0 : i32
    %dma_start3A_77 = tpu.memref_slice %arg4[%add3A_70, %dma_start3A_76] : memref<16384x128xf32, #tpu.memory_space<hbm>> -> memref<128x128xf32, #tpu.memory_space<hbm>>
    %dma_start3A_78 = arith.constant 0 : i32
    %dma_start3A_79 = arith.constant 0 : i32
    %dma_start3A_80 = tpu.memref_slice %arg6[%dma_start3A_78, %dma_start3A_79] : memref<512x128xf32, #tpu.memory_space<vmem>> -> memref<128x128xf32, #tpu.memory_space<vmem>>
    tpu.enqueue_dma source(%dma_start3A_80 : memref<128x128xf32, #tpu.memory_space<vmem>>) target(%dma_start3A_77 : memref<128x128xf32, #tpu.memory_space<hbm>>) target_semaphore(%arg13 : memref<!tpu.dma_semaphore, #tpu.memory_space<semaphore_mem>>)
    %dma_wait3A_81 = arith.constant 128 : i32
    %dma_wait3A_82 = arith.constant 0 : i32
    %dma_wait3A_83 = tpu.memref_slice %arg6[%dma_wait3A_81, %dma_wait3A_82] : memref<512x128xf32, #tpu.memory_space<vmem>> -> memref<128x128xf32, #tpu.memory_space<vmem>>
    %dma_wait3A_84 = arith.constant 128 : i32
    %dma_wait3A_85 = tpu.memref_slice %arg5[%dma_wait3A_84] : memref<512xi32, #tpu.memory_space<vmem>> -> memref<128xi32, #tpu.memory_space<vmem>>
    %dma_wait3A_86 = arith.constant 0 : i32
    %dma_wait3A_87 = arith.constant 0 : i32
    %dma_wait3A_88 = tpu.memref_slice %arg2[%dma_wait3A_86, %dma_wait3A_87] : memref<100000x128xf32, #tpu.memory_space<hbm>> -> memref<100000x128xf32, #tpu.memory_space<hbm>>
    tpu.wait_indirect_dma semaphore(%arg10 : memref<!tpu.dma_semaphore, #tpu.memory_space<semaphore_mem>>) src(%dma_wait3A_88 : memref<100000x128xf32, #tpu.memory_space<hbm>>) dst(%dma_wait3A_83 : memref<128x128xf32, #tpu.memory_space<vmem>>)
    %add3A_89 = arith.constant 128 : i32
    %add3A_90 = arith.addi %mul3A_2, %add3A_89 : i32
    %dma_start3A_91 = arith.constant 128 : i32
    %dma_start3A_92 = arith.constant 0 : i32
    %dma_start3A_93 = tpu.memref_slice %arg6[%dma_start3A_91, %dma_start3A_92] : memref<512x128xf32, #tpu.memory_space<vmem>> -> memref<128x128xf32, #tpu.memory_space<vmem>>
    %dma_start3A_94 = arith.constant 0 : i32
    %dma_start3A_95 = tpu.memref_slice %arg4[%add3A_90, %dma_start3A_94] : memref<16384x128xf32, #tpu.memory_space<hbm>> -> memref<128x128xf32, #tpu.memory_space<hbm>>
    %dma_start3A_96 = arith.constant 0 : i32
    %dma_start3A_97 = tpu.memref_slice %arg4[%add3A_90, %dma_start3A_96] : memref<16384x128xf32, #tpu.memory_space<hbm>> -> memref<128x128xf32, #tpu.memory_space<hbm>>
    %dma_start3A_98 = arith.constant 128 : i32
    %dma_start3A_99 = arith.constant 0 : i32
    %dma_start3A_100 = tpu.memref_slice %arg6[%dma_start3A_98, %dma_start3A_99] : memref<512x128xf32, #tpu.memory_space<vmem>> -> memref<128x128xf32, #tpu.memory_space<vmem>>
    tpu.enqueue_dma source(%dma_start3A_100 : memref<128x128xf32, #tpu.memory_space<vmem>>) target(%dma_start3A_97 : memref<128x128xf32, #tpu.memory_space<hbm>>) target_semaphore(%arg13 : memref<!tpu.dma_semaphore, #tpu.memory_space<semaphore_mem>>)
    %dma_wait3A_101 = arith.constant 256 : i32
    %dma_wait3A_102 = arith.constant 0 : i32
    %dma_wait3A_103 = tpu.memref_slice %arg6[%dma_wait3A_101, %dma_wait3A_102] : memref<512x128xf32, #tpu.memory_space<vmem>> -> memref<128x128xf32, #tpu.memory_space<vmem>>
    %dma_wait3A_104 = arith.constant 256 : i32
    %dma_wait3A_105 = tpu.memref_slice %arg5[%dma_wait3A_104] : memref<512xi32, #tpu.memory_space<vmem>> -> memref<128xi32, #tpu.memory_space<vmem>>
    %dma_wait3A_106 = arith.constant 0 : i32
    %dma_wait3A_107 = arith.constant 0 : i32
    %dma_wait3A_108 = tpu.memref_slice %arg2[%dma_wait3A_106, %dma_wait3A_107] : memref<100000x128xf32, #tpu.memory_space<hbm>> -> memref<100000x128xf32, #tpu.memory_space<hbm>>
    tpu.wait_indirect_dma semaphore(%arg11 : memref<!tpu.dma_semaphore, #tpu.memory_space<semaphore_mem>>) src(%dma_wait3A_108 : memref<100000x128xf32, #tpu.memory_space<hbm>>) dst(%dma_wait3A_103 : memref<128x128xf32, #tpu.memory_space<vmem>>)
    %add3A_109 = arith.constant 256 : i32
    %add3A_110 = arith.addi %mul3A_2, %add3A_109 : i32
    %dma_start3A_111 = arith.constant 256 : i32
    %dma_start3A_112 = arith.constant 0 : i32
    %dma_start3A_113 = tpu.memref_slice %arg6[%dma_start3A_111, %dma_start3A_112] : memref<512x128xf32, #tpu.memory_space<vmem>> -> memref<128x128xf32, #tpu.memory_space<vmem>>
    %dma_start3A_114 = arith.constant 0 : i32
    %dma_start3A_115 = tpu.memref_slice %arg4[%add3A_110, %dma_start3A_114] : memref<16384x128xf32, #tpu.memory_space<hbm>> -> memref<128x128xf32, #tpu.memory_space<hbm>>
    %dma_start3A_116 = arith.constant 0 : i32
    %dma_start3A_117 = tpu.memref_slice %arg4[%add3A_110, %dma_start3A_116] : memref<16384x128xf32, #tpu.memory_space<hbm>> -> memref<128x128xf32, #tpu.memory_space<hbm>>
    %dma_start3A_118 = arith.constant 256 : i32
    %dma_start3A_119 = arith.constant 0 : i32
    %dma_start3A_120 = tpu.memref_slice %arg6[%dma_start3A_118, %dma_start3A_119] : memref<512x128xf32, #tpu.memory_space<vmem>> -> memref<128x128xf32, #tpu.memory_space<vmem>>
    tpu.enqueue_dma source(%dma_start3A_120 : memref<128x128xf32, #tpu.memory_space<vmem>>) target(%dma_start3A_117 : memref<128x128xf32, #tpu.memory_space<hbm>>) target_semaphore(%arg13 : memref<!tpu.dma_semaphore, #tpu.memory_space<semaphore_mem>>)
    %dma_wait3A_121 = arith.constant 384 : i32
    %dma_wait3A_122 = arith.constant 0 : i32
    %dma_wait3A_123 = tpu.memref_slice %arg6[%dma_wait3A_121, %dma_wait3A_122] : memref<512x128xf32, #tpu.memory_space<vmem>> -> memref<128x128xf32, #tpu.memory_space<vmem>>
    %dma_wait3A_124 = arith.constant 384 : i32
    %dma_wait3A_125 = tpu.memref_slice %arg5[%dma_wait3A_124] : memref<512xi32, #tpu.memory_space<vmem>> -> memref<128xi32, #tpu.memory_space<vmem>>
    %dma_wait3A_126 = arith.constant 0 : i32
    %dma_wait3A_127 = arith.constant 0 : i32
    %dma_wait3A_128 = tpu.memref_slice %arg2[%dma_wait3A_126, %dma_wait3A_127] : memref<100000x128xf32, #tpu.memory_space<hbm>> -> memref<100000x128xf32, #tpu.memory_space<hbm>>
    tpu.wait_indirect_dma semaphore(%arg12 : memref<!tpu.dma_semaphore, #tpu.memory_space<semaphore_mem>>) src(%dma_wait3A_128 : memref<100000x128xf32, #tpu.memory_space<hbm>>) dst(%dma_wait3A_123 : memref<128x128xf32, #tpu.memory_space<vmem>>)
    %add3A_129 = arith.constant 384 : i32
    %add3A_130 = arith.addi %mul3A_2, %add3A_129 : i32
    %dma_start3A_131 = arith.constant 384 : i32
    %dma_start3A_132 = arith.constant 0 : i32
    %dma_start3A_133 = tpu.memref_slice %arg6[%dma_start3A_131, %dma_start3A_132] : memref<512x128xf32, #tpu.memory_space<vmem>> -> memref<128x128xf32, #tpu.memory_space<vmem>>
    %dma_start3A_134 = arith.constant 0 : i32
    %dma_start3A_135 = tpu.memref_slice %arg4[%add3A_130, %dma_start3A_134] : memref<16384x128xf32, #tpu.memory_space<hbm>> -> memref<128x128xf32, #tpu.memory_space<hbm>>
    %dma_start3A_136 = arith.constant 0 : i32
    %dma_start3A_137 = tpu.memref_slice %arg4[%add3A_130, %dma_start3A_136] : memref<16384x128xf32, #tpu.memory_space<hbm>> -> memref<128x128xf32, #tpu.memory_space<hbm>>
    %dma_start3A_138 = arith.constant 384 : i32
    %dma_start3A_139 = arith.constant 0 : i32
    %dma_start3A_140 = tpu.memref_slice %arg6[%dma_start3A_138, %dma_start3A_139] : memref<512x128xf32, #tpu.memory_space<vmem>> -> memref<128x128xf32, #tpu.memory_space<vmem>>
    tpu.enqueue_dma source(%dma_start3A_140 : memref<128x128xf32, #tpu.memory_space<vmem>>) target(%dma_start3A_137 : memref<128x128xf32, #tpu.memory_space<hbm>>) target_semaphore(%arg13 : memref<!tpu.dma_semaphore, #tpu.memory_space<semaphore_mem>>)
    %dma_wait3A_141 = arith.constant 0 : i32
    %dma_wait3A_142 = arith.constant 0 : i32
    %dma_wait3A_143 = tpu.memref_slice %arg6[%dma_wait3A_141, %dma_wait3A_142] : memref<512x128xf32, #tpu.memory_space<vmem>> -> memref<128x128xf32, #tpu.memory_space<vmem>>
    %dma_wait3A_144 = arith.constant 0 : i32
    %dma_wait3A_145 = tpu.memref_slice %arg4[%add3A_70, %dma_wait3A_144] : memref<16384x128xf32, #tpu.memory_space<hbm>> -> memref<128x128xf32, #tpu.memory_space<hbm>>
    %dma_wait3A_146 = arith.constant 0 : i32
    %dma_wait3A_147 = tpu.memref_slice %arg4[%add3A_70, %dma_wait3A_146] : memref<16384x128xf32, #tpu.memory_space<hbm>> -> memref<128x128xf32, #tpu.memory_space<hbm>>
    %dma_wait3A_148 = arith.constant 0 : i32
    %dma_wait3A_149 = arith.constant 0 : i32
    %dma_wait3A_150 = tpu.memref_slice %arg6[%dma_wait3A_148, %dma_wait3A_149] : memref<512x128xf32, #tpu.memory_space<vmem>> -> memref<128x128xf32, #tpu.memory_space<vmem>>
    tpu.wait_dma2 semaphore(%arg13 : memref<!tpu.dma_semaphore, #tpu.memory_space<semaphore_mem>>) src(%dma_wait3A_150 : memref<128x128xf32, #tpu.memory_space<vmem>>) dst(%dma_wait3A_147 : memref<128x128xf32, #tpu.memory_space<hbm>>)
    %dma_wait3A_151 = arith.constant 128 : i32
    %dma_wait3A_152 = arith.constant 0 : i32
    %dma_wait3A_153 = tpu.memref_slice %arg6[%dma_wait3A_151, %dma_wait3A_152] : memref<512x128xf32, #tpu.memory_space<vmem>> -> memref<128x128xf32, #tpu.memory_space<vmem>>
    %dma_wait3A_154 = arith.constant 0 : i32
    %dma_wait3A_155 = tpu.memref_slice %arg4[%add3A_90, %dma_wait3A_154] : memref<16384x128xf32, #tpu.memory_space<hbm>> -> memref<128x128xf32, #tpu.memory_space<hbm>>
    %dma_wait3A_156 = arith.constant 0 : i32
    %dma_wait3A_157 = tpu.memref_slice %arg4[%add3A_90, %dma_wait3A_156] : memref<16384x128xf32, #tpu.memory_space<hbm>> -> memref<128x128xf32, #tpu.memory_space<hbm>>
    %dma_wait3A_158 = arith.constant 128 : i32
    %dma_wait3A_159 = arith.constant 0 : i32
    %dma_wait3A_160 = tpu.memref_slice %arg6[%dma_wait3A_158, %dma_wait3A_159] : memref<512x128xf32, #tpu.memory_space<vmem>> -> memref<128x128xf32, #tpu.memory_space<vmem>>
    tpu.wait_dma2 semaphore(%arg13 : memref<!tpu.dma_semaphore, #tpu.memory_space<semaphore_mem>>) src(%dma_wait3A_160 : memref<128x128xf32, #tpu.memory_space<vmem>>) dst(%dma_wait3A_157 : memref<128x128xf32, #tpu.memory_space<hbm>>)
    %dma_wait3A_161 = arith.constant 256 : i32
    %dma_wait3A_162 = arith.constant 0 : i32
    %dma_wait3A_163 = tpu.memref_slice %arg6[%dma_wait3A_161, %dma_wait3A_162] : memref<512x128xf32, #tpu.memory_space<vmem>> -> memref<128x128xf32, #tpu.memory_space<vmem>>
    %dma_wait3A_164 = arith.constant 0 : i32
    %dma_wait3A_165 = tpu.memref_slice %arg4[%add3A_110, %dma_wait3A_164] : memref<16384x128xf32, #tpu.memory_space<hbm>> -> memref<128x128xf32, #tpu.memory_space<hbm>>
    %dma_wait3A_166 = arith.constant 0 : i32
    %dma_wait3A_167 = tpu.memref_slice %arg4[%add3A_110, %dma_wait3A_166] : memref<16384x128xf32, #tpu.memory_space<hbm>> -> memref<128x128xf32, #tpu.memory_space<hbm>>
    %dma_wait3A_168 = arith.constant 256 : i32
    %dma_wait3A_169 = arith.constant 0 : i32
    %dma_wait3A_170 = tpu.memref_slice %arg6[%dma_wait3A_168, %dma_wait3A_169] : memref<512x128xf32, #tpu.memory_space<vmem>> -> memref<128x128xf32, #tpu.memory_space<vmem>>
    tpu.wait_dma2 semaphore(%arg13 : memref<!tpu.dma_semaphore, #tpu.memory_space<semaphore_mem>>) src(%dma_wait3A_170 : memref<128x128xf32, #tpu.memory_space<vmem>>) dst(%dma_wait3A_167 : memref<128x128xf32, #tpu.memory_space<hbm>>)
    %dma_wait3A_171 = arith.constant 384 : i32
    %dma_wait3A_172 = arith.constant 0 : i32
    %dma_wait3A_173 = tpu.memref_slice %arg6[%dma_wait3A_171, %dma_wait3A_172] : memref<512x128xf32, #tpu.memory_space<vmem>> -> memref<128x128xf32, #tpu.memory_space<vmem>>
    %dma_wait3A_174 = arith.constant 0 : i32
    %dma_wait3A_175 = tpu.memref_slice %arg4[%add3A_130, %dma_wait3A_174] : memref<16384x128xf32, #tpu.memory_space<hbm>> -> memref<128x128xf32, #tpu.memory_space<hbm>>
    %dma_wait3A_176 = arith.constant 0 : i32
    %dma_wait3A_177 = tpu.memref_slice %arg4[%add3A_130, %dma_wait3A_176] : memref<16384x128xf32, #tpu.memory_space<hbm>> -> memref<128x128xf32, #tpu.memory_space<hbm>>
    %dma_wait3A_178 = arith.constant 384 : i32
    %dma_wait3A_179 = arith.constant 0 : i32
    %dma_wait3A_180 = tpu.memref_slice %arg6[%dma_wait3A_178, %dma_wait3A_179] : memref<512x128xf32, #tpu.memory_space<vmem>> -> memref<128x128xf32, #tpu.memory_space<vmem>>
    tpu.wait_dma2 semaphore(%arg13 : memref<!tpu.dma_semaphore, #tpu.memory_space<semaphore_mem>>) src(%dma_wait3A_180 : memref<128x128xf32, #tpu.memory_space<vmem>>) dst(%dma_wait3A_177 : memref<128x128xf32, #tpu.memory_space<hbm>>)
    return
  }
}

</mosaic_0001>

<sc_bundles>
// kernel: kernel.3.cloned.1.call-start
scs
__scs_entry_jumppad:
0x0: {  	(pc) =	sbr.rel $0x88, $3  }
0x1: {  	(tag) =	ssettag $0x0;
	lr =	simm.s32 $0x1  }
0x2: {  	[smem:$0x3F9F] =	sst lr;
	_ =	strace $0xD0000000  }
0x3: {  	_ = 	snop  }
0x4: {  	_ = 	snop  }
0x5: {  	_ = 	snop  }
0x6: {  	_ = 	snop  }
0x7: {  	_ = 	snop  }
__scs_overlays_trampoline_lowered:
0x8: {  	[smem:$0x3FAE] =	sst s0  }
0x9: {  	[smem:$0x3FAF] =	sst s1  }
0xa: {  	[smem:$0x3FB0] =	sst s2  }
0xb: {  	[smem:$0x3FB1] =	sst s3  }
0xc: {  	[smem:$0x3FB2] =	sst s4  }
0xd: {  	[smem:$0x3FB3] =	sst s5  }
0xe: {  	[smem:$0x3FB4] =	sst s6  }
0xf: {  	[smem:$0x3FB5] =	sst s7  }
0x10: {  	[smem:$0x3FB6] =	sst s8  }
0x11: {  	[smem:$0x3FB7] =	sst s9;
	s0 =	simm.s32 @!p0 $0x0  }
0x12: {  	s1 =	sld [smem:$0x3F9D];
	s0 =	simm.s32 @p0 $0x1  }
0x13: {  	[smem:$0x3FB8] =	sst s0;
	s0 =	simm.s32 @!p1 $0x0  }
0x14: {  	s2 =	sld [smem:$0x3F9C];
	s0 =	simm.s32 @p1 $0x1  }
0x15: {  	[smem:$0x3FB9] =	sst s0;
	s0 =	simm.s32 @!p2 $0x0  }
0x16: {  	s3 =	sld [smem:$0x3FDB];
	s0 =	simm.s32 @p2 $0x1  }
0x17: {  	s4 =	simm.s32 $0x1BF5;
	[smem:$0x3FBB] =	sst s0  }
0x18: {  	s0 =	sld [smem:$0x3F9E];
	_ =	swait.ge [sflag:s4], $0x0  }
0x19: {  	s7 =	sld [smem:$0x3F9F]  }
0x1a: {  	s8 =	sadd.s32 $0xFFFFE003, lr  }
0x1b: {  	s9 =	sadd.s32 $0xFFFFFEF7, lr;
	s5 =	simm.s32 $0xFFFFFFFF;
	p2 =	slt.u32 s8, $0xFFFFF086  }
0x1c: {  	p1 =	slt.u32 s9, $0xF7A;
	s5 =	simm.s32 @!p2 $0x0  }
0x1d: {  	s5 =	simm.s32 @p1 $0x1;
	p0 =	seq.s32 s7, s2  }
0x1e: {  	s7 =	smul.u32 @!p0 $0xF7A, s2;
	p2 =	seq.s32 @!p0 s5, $0x0  }
0x1f: {  	s9 =	smul.u32 $0xF7A, s1;
	s8 =	simm.s32 @!p0 $0x1BF5;
	p2 =	por !p2, p0  }
0x20: {  	[sflag:s8] =	ssyncset.s32 @!p0 $0xFFFFF086;
	s6 =	sadd.s32 @!p0 s3, s7;
	s7 =	simm.s32 @!p0 $0x108  }
0x21: {  	s3 =	sadd.s32 s3, s9;
	s6 =	sadd.s32 @!p0 $0x88, s6;
	s7 =	simm.s32 @p2 $0x1082  }
0x22: {  	[simem:s7], [sflag:s8] =	dma.local @!p0 [hbm:s6], $0xF7A  }
0x23: {  	s9 =	sor.u32 $0xD0000000, s2;
	s6 =	simm.s32 $0x108;
	_ =	swait.ge @!p0 [sflag:s8], $0x0  }
0x24: {  	s3 =	sadd.s32 $0x88, s3;
	s6 =	simm.s32 @!p1 $0x1082;
	[sflag:s4] =	ssyncset.s32 $0xFFFFF086  }
0x25: {  	[simem:s6], [sflag:s4] =	dma.local [hbm:s3], $0xF7A  }
0x26: {  	[smem:$0x3F9F] =	sst s1;
	(tag) =	ssettag s2;
	_ =	strace s9  }
0x27: {  	s1 =	sld [smem:$0x3FAF]  }
0x28: {  	s2 =	sld [smem:$0x3FB0]  }
0x29: {  	s4 =	sld [smem:$0x3FB2]  }
0x2a: {  	p0 =	seq.s32 s5, $0x0;
	s5 =	sld [smem:$0x3FB3]  }
0x2b: {  	s6 =	sld [smem:$0x3FB4]  }
0x2c: {  	s7 =	sld [smem:$0x3FB5]  }
0x2d: {  	s3 =	simm.s32 $0x108;
	s8 =	sld [smem:$0x3FB6]  }
0x2e: {  	s3 =	simm.s32 @!p0 $0x1082;
	s9 =	sld [smem:$0x3FB7]  }
0x2f: {  	lr =	sadd.s32 s0, s3;
	s0 =	sld [smem:$0x3FAE]  }
0x30: {  	s3 =	sld [smem:$0x3FB1]  }
0x31: {  	[smem:$0x3FBA] =	sst s10  }
0x32: {  	s10 =	sld [smem:$0x3FB8];
	_ =	sdelay $0x3  }
0x33: {  	p0 =	seq.s32 s10, $0x1;
	s10 =	sld [smem:$0x3FBA];
	_ =	sdelay $0x3  }
0x34: {  	[smem:$0x3FBA] =	sst s10  }
0x35: {  	s10 =	sld [smem:$0x3FB9];
	_ =	sdelay $0x3  }
0x36: {  	p1 =	seq.s32 s10, $0x1;
	s10 =	sld [smem:$0x3FBA];
	_ =	sdelay $0x3  }
0x37: {  	[smem:$0x3FBA] =	sst s10  }
0x38: {  	s10 =	sld [smem:$0x3FBB]  }
0x39: {  	_ = 	snop;
	(pc) =	sbr.ind lr, $3  }
0x3a: {  	_ = 	snop  }
0x3b: {  	_ = 	snop  }
0x3c: {  	p2 =	seq.s32 s10, $0x1;
	s10 =	sld [smem:$0x3FBA]  }
0x3d: {  	_ =	shalt  }
0x3e: {  	_ =	shalt  }
0x3f: {  	_ =	shalt  }
0x40: {  	_ =	shalt  }
0x41: {  	_ =	shalt  }
0x42: {  	_ =	shalt  }
0x43: {  	_ =	shalt  }
0x44: {  	_ =	shalt  }
0x45: {  	_ =	shalt  }
0x46: {  	_ =	shalt  }
0x47: {  	_ =	shalt  }
0x48: {  	_ =	shalt  }
0x49: {  	_ =	shalt  }
0x4a: {  	_ =	shalt  }
0x4b: {  	_ =	shalt  }
0x4c: {  	_ =	shalt  }
0x4d: {  	_ =	shalt  }
0x4e: {  	_ =	shalt  }
0x4f: {  	_ =	shalt  }
0x50: {  	_ =	shalt  }
0x51: {  	_ =	shalt  }
0x52: {  	_ =	shalt  }
0x53: {  	_ =	shalt  }
0x54: {  	_ =	shalt  }
0x55: {  	_ =	shalt  }
0x56: {  	_ =	shalt  }
0x57: {  	_ =	shalt  }
0x58: {  	_ =	shalt  }
0x59: {  	_ =	shalt  }
0x5a: {  	_ =	shalt  }
0x5b: {  	_ =	shalt  }
0x5c: {  	_ =	shalt  }
0x5d: {  	_ =	shalt  }
0x5e: {  	_ =	shalt  }
0x5f: {  	_ =	shalt  }
0x60: {  	_ =	shalt  }
0x61: {  	_ =	shalt  }
0x62: {  	_ =	shalt  }
0x63: {  	_ =	shalt  }
0x64: {  	_ =	shalt  }
0x65: {  	_ =	shalt  }
0x66: {  	_ =	shalt  }
0x67: {  	_ =	shalt  }
0x68: {  	_ =	shalt  }
0x69: {  	_ =	shalt  }
0x6a: {  	_ =	shalt  }
0x6b: {  	_ =	shalt  }
0x6c: {  	_ =	shalt  }
0x6d: {  	_ =	shalt  }
0x6e: {  	_ =	shalt  }
0x6f: {  	_ =	shalt  }
0x70: {  	_ =	shalt  }
0x71: {  	_ =	shalt  }
0x72: {  	_ =	shalt  }
0x73: {  	_ =	shalt  }
0x74: {  	_ =	shalt  }
0x75: {  	_ =	shalt  }
0x76: {  	_ =	shalt  }
0x77: {  	_ =	shalt  }
0x78: {  	_ =	shalt  }
0x79: {  	_ =	shalt  }
0x7a: {  	_ =	shalt  }
0x7b: {  	_ =	shalt  }
0x7c: {  	_ =	shalt  }
0x7d: {  	_ =	shalt  }
0x7e: {  	_ =	shalt  }
0x7f: {  	_ =	shalt  }
0x80: {  	_ =	shalt  }
0x81: {  	_ =	shalt  }
0x82: {  	_ =	shalt  }
0x83: {  	_ =	shalt  }
0x84: {  	_ =	shalt  }
0x85: {  	_ =	shalt  }
0x86: {  	_ =	shalt  }
0x87: {  	_ =	shalt  }
.Lfunc_end0:
.L_simem_size_0:
called_computation_lowered:
.L_overlay_start_0:
0x88: {  	s2 =	sld [smem:$0x3FD9]  }
0x89: {  	s3 =	sld [smem:$0x3FFE];
	_ =	sdelay $0x1  }
0x8a: {  	s1 =	srdreg.scid  }
0x8b: {  	s0 =	sand.u32 $0x1, s1  }
0x8c: {  	s18 =	sshll.u32 s0, $0xA;
	s2 =	sadd.s32 s3, s2  }
0x8d: {  	s2 =	sadd.s32 s2, s18  }
0x8e: {  	[smem:$0x3FC6] =	sst s2  }
0x8f: {  	_ = 	snop  }
0x90: {  	s2 =	sld [smem:$0x3FC9]  }
0x91: {  	s19 =	sld [smem:$0x3FC8]  }
0x92: {  	s4 =	sld [smem:$0x3FD0];
	(tm) =	ssettm $0x1  }
0x93: {  	s5 =	sld [smem:$0x3FFB];
	_ =	sdelay $0x3  }
0x94: {  	_ =	strace s5  }
0x95: {  	s5 =	sld [smem:$0x3FFC];
	_ =	sdelay $0x3  }
0x96: {  	_ =	strace s5  }
0x97: {  	s5 =	sld [smem:$0x3FFD];
	_ =	sdelay $0x3  }
0x98: {  	_ =	strace s5  }
0x99: {  	_ =	strace $0x8FFFFFFF  }
0x9a: {  	s20 =	sld [smem:$0x3FDB];
	_ =	sdelay $0x1  }
0x9b: {  	s6 =	simm.s32 $_scs_section_size  }
0x9c: {  	s7 =	simm.s32 $_size__tile_overlayer_lowered;
	s8 =	simm.s32 $_tile_overlayer_lowered  }
0x9d: {  	s23 =	simm.s32 $0x1BFF;
	s22 =	sshll.u32 s8, $0x1;
	s5 =	sadd.s32 s6, s20  }
0x9e: {  	s9 =	simm.s32 $0x0;
	s21 =	sshll.u32 s7, $0x1;
	s7 =	sadd.s32 s22, s5  }
0x9f: {  	[timem:s9], [sflag:s23] =	dma.local [hbm:s7], s21  }
0xa0: {  	_ =	swait.ge [sflag:s23], s21  }
0xa1: {  	s6 =	ssub.s32 $0x0, s21;
	[sflag:s23] =	ssyncset.done $0x0  }
0xa2: {  	[sflag:s23] =	ssyncadd.s32 s6;
	_ =	sdelay $0x1  }
0xa3: {  	s24 =	simm.s32 $0x1B8B  }
0xa4: {  	_ =	swait.ge [sflag:s24], $0x1  }
0xa5: {  	[sflag:s24] =	ssyncset.done $0x0  }
0xa6: {  	s25 =	simm.s32 $0x1B8E;
	[sflag:s24] =	ssyncadd.s32 $0xFFFFFFFF  }
0xa7: {  	s26 =	simm.s32 $execute0_lowered;
	[smem:$0x3FD2] =	sst s25  }
0xa8: {  	s6 =	sshll.u32 s26, $0x1;
	_ =	strace $0x80000046;
	[dreg:$0x1] =	wrdreg $0xFFFFFFFF  }
0xa9: {  	s28 =	simm.s32 $_size_execute0_lowered;
	s5 =	sadd.s32 s5, s6;
	[dreg:$0x0] =	wrdreg $0x0  }
0xaa: {  	s6 =	sshll.u32 s28, $0x1;
	[dreg:$0x2] =	wrdreg s5  }
0xab: {  	[dreg:$0x3] =	wrdreg s6  }
0xac: {  	[dreg:$0x4] =	wrdreg $0xC0  }
0xad: {  	_ =	task [dreg:s9], $0x5FFFF  }
0xae: {  	[dreg:$0x1] =	wrdreg $0xFFFFFFFF  }
0xaf: {  	[dreg:$0x0] =	wrdreg $0x60  }
0xb0: {  	[dreg:$0x2] =	wrdreg s19  }
0xb1: {  	[dreg:$0x3] =	wrdreg s2  }
0xb2: {  	[dreg:$0x4] =	wrdreg s4  }
0xb3: {  	[dreg:$0x5] =	wrdreg $0x9  }
0xb4: {  	_ =	task.clear_ibuf [dreg:s9], $0x6FFFF;
	_ =	strace $0x90000046  }
0xb5: {  	s29 =	simm.s32 $0x9;
	_ =	strace $0x80000048  }
0xb6: {  	_ =	swait.ge [sflag:s29], $0x1  }
0xb7: {  	[sflag:s29] =	ssyncadd.s32 $0xFFFFFFFF  }
0xb8: {  	_ =	strace $0x90000048  }
0xb9: {  	_ =	sfence  }
0xba: {  	s30 =	sld [smem:$0x0];
	_ =	sdelay $0x2  }
0xbb: {  	s31 =	sshll.u32 s1, $0xD;
	s1 =	sshrl.u32 s1, $0x2  }
0xbc: {  	s3 =	sand.u32 $0x4000, s31;
	s1 =	sadd.s32 s1, s30  }
0xbd: {  	s0 =	sor.u32 s3, s0;
	s1 =	sshll.u32 s1, $0x11  }
0xbe: {  	s0 =	sor.u32 s1, s0  }
0xbf: {  	s0 =	sadd.s32 $0x8F2B, s0  }
0xc0: {  	[sflag:s0] =	ssyncadd.remote.s32 $0x1  }
0xc1: {  	_ =	sfence.sel $0xFFFF  }
0xc2: {  	[dreg:$0x0] =	wrdreg $0xFFFFFFFF;
	(pc) =	sbr.abs _section_cstart, $3  }
0xc3: {  	[dreg:$0x1] =	wrdreg $0xFFFFFFFF  }
0xc4: {  	_ =	task.clear_ibuf [dreg:s9], $0x2FFFF;
	_ =	strace $0x9FFFFFFF  }
0xc5: {  	(tm) =	ssettm $0x7FFFFFFF  }
tec
execute0_lowered:
.L_overlay_start_1:
0x0: {  	(tag) =	ssettag $0x1  }
0x1: {  	s1 =	rddreg [dreg:$0x0];
	s2 =	srdreg.scid  }
0x2: {  	s5 =	rddreg [dreg:$0x1];
	s0 =	stileid.u32;
	s24 =	sand.u32 $0x1, s2  }
0x3: {  	s20 =	rddreg [dreg:$0x2];
	s4 =	sshll.u32 s0, $0xA;
	s6 =	sshll.u32 s24, $0x9  }
0x4: {  	s3 =	simm.s32 $0x0;
	s2 =	rddreg [dreg:$0x3];
	s16 =	sor.u32 s6, s4  }
0x5: {  	[smem:$0x7FF] =	sst s3;
	s4 =	sshrl.u32 s16, $0x3;
	s21 =	sor.u32 $0x100, s16  }
0x6: {  	_ =	strace $0x80000047;
	s4 =	sadd.s32 s5, s4;
	s31 =	sshrl.u32 s21, $0x3  }
0x7: {  	[tilespmem:s3], [sflag:$0x1] =	stream.linear.gather [hbm4b:s4+s3], $0x100, $0x38;
	[tilespmem:$0x10200] =	vst v63  }
0x8: {  	s7 =	simm.s32 $0x1;
	s6 =	simm.s32 $0x100;
	s5 =	sadd.s32 s5, s31  }
0x9: {  	[tilespmem:s6], [sflag:$0x2] =	stream.linear.gather [hbm4b:s5+s3], $0x100, $0x38;
	[tilespmem:$0x10200] =	vst v63  }
0xa: {  	_ =	swait.ge [sflag:s7], $0x100  }
0xb: {  	[sflag:s7] =	ssyncset.done $0x0  }
0xc: {  	s8 =	simm.s32 $0x80;
	s9 =	simm.s32 $0x200;
	[sflag:s7] =	ssyncadd.s32 $0xFFFFFF00  }
0xd: {  	[tilespmem:s9], [sflag:$0x3] =	stream.indirect.gather [hbm4b:s1+s8], $0x80, s3, s8, $0xb8;
	[tilespmem:$0x10200] =	vst v63  }
0xe: {  	s10 =	simm.s32 $0x4200;
	s11 =	simm.s32 $0x2  }
0xf: {  	[tilespmem:s10], [sflag:$0x4] =	stream.indirect.gather [hbm4b:s1+s8], $0x80, s8, s8, $0xb8;
	[tilespmem:$0x10200] =	vst v63  }
0x10: {  	_ =	swait.ge [sflag:s11], $0x100  }
0x11: {  	[sflag:s11] =	ssyncset.done $0x0  }
0x12: {  	s12 =	simm.s32 $0x8200;
	[sflag:s11] =	ssyncadd.s32 $0xFFFFFF00  }
0x13: {  	[tilespmem:s12], [sflag:$0x5] =	stream.indirect.gather [hbm4b:s1+s8], $0x80, s6, s8, $0xb8;
	[tilespmem:$0x10200] =	vst v63  }
0x14: {  	s13 =	simm.s32 $0x180;
	s14 =	simm.s32 $0xC200;
	s15 =	simm.s32 $0x3  }
0x15: {  	[tilespmem:s14], [sflag:$0x6] =	stream.indirect.gather [hbm4b:s1+s8], $0x80, s13, s8, $0xb8;
	[tilespmem:$0x10200] =	vst v63  }
0x16: {  	_ =	swait.ge [sflag:s15], $0x4000  }
0x17: {  	s16 =	sshll.u32 s16, $0x4;
	[sflag:s15] =	ssyncset.done $0x0  }
0x18: {  	s17 =	simm.s32 $0x4;
	s16 =	sadd.s32 s20, s16;
	[sflag:s15] =	ssyncadd.s32 $0xFFFFC000  }
0x19: {  	[hbm4b:s16+s3] =	stream.linear.scatter [tilespmem:s9], [sflag:$0x7], $0x4000, $0x38;
	[tilespmem:$0x10200] =	vst v63  }
0x1a: {  	_ =	swait.ge [sflag:s17], $0x4000  }
0x1b: {  	[sflag:s17] =	ssyncset.done $0x0  }
0x1c: {  	s19 =	simm.s32 $0x5;
	s18 =	sadd.s32 $0x800, s16;
	[sflag:s17] =	ssyncadd.s32 $0xFFFFC000  }
0x1d: {  	[hbm4b:s18+s3] =	stream.linear.scatter [tilespmem:s10], [sflag:$0x7], $0x4000, $0x38;
	[tilespmem:$0x10200] =	vst v63  }
0x1e: {  	_ =	swait.ge [sflag:s19], $0x4000  }
0x1f: {  	s21 =	sshll.u32 s21, $0x4;
	[sflag:s19] =	ssyncset.done $0x0  }
0x20: {  	s20 =	sadd.s32 s20, s21;
	s21 =	simm.s32 $0x6;
	[sflag:s19] =	ssyncadd.s32 $0xFFFFC000  }
0x21: {  	[hbm4b:s20+s3] =	stream.linear.scatter [tilespmem:s12], [sflag:$0x7], $0x4000, $0x38;
	[tilespmem:$0x10200] =	vst v63  }
0x22: {  	_ =	swait.ge [sflag:s21], $0x4000  }
0x23: {  	[sflag:s21] =	ssyncset.done $0x0  }
0x24: {  	s22 =	simm.s32 $0x7;
	s23 =	sadd.s32 $0x1800, s16;
	[sflag:s21] =	ssyncadd.s32 $0xFFFFC000  }
0x25: {  	[hbm4b:s23+s3] =	stream.linear.scatter [tilespmem:s14], [sflag:$0x7], $0x4000, $0x38;
	[tilespmem:$0x10200] =	vst v63  }
0x26: {  	_ =	swait.ge [sflag:s22], $0x4000  }
0x27: {  	s24 =	ssub.s32 $0x2, s24;
	[sflag:s22] =	ssyncset.done $0x0  }
0x28: {  	s25 =	sshrl.u32 s24, $0x1;
	[sflag:s22] =	ssyncadd.s32 $0xFFFFC000  }
0x29: {  	s24 =	ssub.s32 s24, s25;
	_ =	swait.ge [sflag:s22], $0x4000  }
0x2a: {  	s24 =	smax.u32 s24, $0x1;
	[sflag:s22] =	ssyncset.done $0x0  }
0x2b: {  	p0 =	sne.s32 s24, $0x1;
	[sflag:s22] =	ssyncadd.s32 $0xFFFFC000  }
.Ltmp0:
0x2c: {  	_ =	swait.ge [sflag:s22], $0x4000;
	(pc) =	sbr.rel @!p0 .LBB2_2-.Ltmp0, $4  }
0x2d: {  	[sflag:s22] =	ssyncset.done $0x0  }
0x2e: {  	[sflag:s22] =	ssyncadd.s32 $0xFFFFC000  }
0x2f: {  	_ =	swait.ge [sflag:s22], $0x4000  }
0x30: {  	s24 =	sadd.s32 $0xFFFFFFFF, s24;
	[sflag:s22] =	ssyncset.done $0x0  }
.LBB2_1:
0x31: {  	p0 =	sne.s32 s24, $0x1;
	s24 =	sadd.s32 $0xFFFFFFFF, s24;
	[sflag:s22] =	ssyncadd.s32 $0xFFFFC000  }
0x32: {  	[tilespmem:s3], [sflag:$0x1] =	stream.linear.gather [hbm4b:s4+s3], $0x100, $0x38;
	[tilespmem:$0x10200] =	vst v63  }
0x33: {  	_ = 	snop  }
0x34: {  	[tilespmem:s6], [sflag:$0x2] =	stream.linear.gather [hbm4b:s5+s3], $0x100, $0x38;
	[tilespmem:$0x10200] =	vst v63  }
0x35: {  	_ =	swait.ge [sflag:s7], $0x100  }
0x36: {  	[sflag:s7] =	ssyncset.done $0x0  }
0x37: {  	[sflag:s7] =	ssyncadd.s32 $0xFFFFFF00  }
0x38: {  	[tilespmem:s9], [sflag:$0x3] =	stream.indirect.gather [hbm4b:s1+s8], $0x80, s3, s8, $0xb8;
	[tilespmem:$0x10200] =	vst v63  }
0x39: {  	_ = 	snop  }
0x3a: {  	[tilespmem:s10], [sflag:$0x4] =	stream.indirect.gather [hbm4b:s1+s8], $0x80, s8, s8, $0xb8;
	[tilespmem:$0x10200] =	vst v63  }
0x3b: {  	_ =	swait.ge [sflag:s11], $0x100  }
0x3c: {  	[sflag:s11] =	ssyncset.done $0x0  }
0x3d: {  	[sflag:s11] =	ssyncadd.s32 $0xFFFFFF00  }
0x3e: {  	[tilespmem:s12], [sflag:$0x5] =	stream.indirect.gather [hbm4b:s1+s8], $0x80, s6, s8, $0xb8;
	[tilespmem:$0x10200] =	vst v63  }
0x3f: {  	_ = 	snop  }
0x40: {  	[tilespmem:s14], [sflag:$0x6] =	stream.indirect.gather [hbm4b:s1+s8], $0x80, s13, s8, $0xb8;
	[tilespmem:$0x10200] =	vst v63  }
0x41: {  	_ =	swait.ge [sflag:s15], $0x4000  }
0x42: {  	[sflag:s15] =	ssyncset.done $0x0  }
0x43: {  	[sflag:s15] =	ssyncadd.s32 $0xFFFFC000  }
0x44: {  	[hbm4b:s16+s3] =	stream.linear.scatter [tilespmem:s9], [sflag:$0x7], $0x4000, $0x38;
	[tilespmem:$0x10200] =	vst v63  }
0x45: {  	_ =	swait.ge [sflag:s17], $0x4000  }
0x46: {  	[sflag:s17] =	ssyncset.done $0x0  }
0x47: {  	[sflag:s17] =	ssyncadd.s32 $0xFFFFC000  }
0x48: {  	[hbm4b:s18+s3] =	stream.linear.scatter [tilespmem:s10], [sflag:$0x7], $0x4000, $0x38;
	[tilespmem:$0x10200] =	vst v63  }
0x49: {  	_ =	swait.ge [sflag:s19], $0x4000  }
0x4a: {  	[sflag:s19] =	ssyncset.done $0x0  }
0x4b: {  	[sflag:s19] =	ssyncadd.s32 $0xFFFFC000  }
0x4c: {  	[hbm4b:s20+s3] =	stream.linear.scatter [tilespmem:s12], [sflag:$0x7], $0x4000, $0x38;
	[tilespmem:$0x10200] =	vst v63  }
0x4d: {  	_ =	swait.ge [sflag:s21], $0x4000  }
0x4e: {  	[sflag:s21] =	ssyncset.done $0x0  }
0x4f: {  	[sflag:s21] =	ssyncadd.s32 $0xFFFFC000  }
0x50: {  	[hbm4b:s23+s3] =	stream.linear.scatter [tilespmem:s14], [sflag:$0x7], $0x4000, $0x38;
	[tilespmem:$0x10200] =	vst v63  }
0x51: {  	_ =	swait.ge [sflag:s22], $0x4000  }
0x52: {  	[sflag:s22] =	ssyncset.done $0x0  }
0x53: {  	[sflag:s22] =	ssyncadd.s32 $0xFFFFC000  }
0x54: {  	_ =	swait.ge [sflag:s22], $0x4000  }
0x55: {  	[sflag:s22] =	ssyncset.done $0x0  }
0x56: {  	[sflag:s22] =	ssyncadd.s32 $0xFFFFC000  }
.Ltmp1:
0x57: {  	_ =	swait.ge [sflag:s22], $0x4000;
	(pc) =	sbr.rel @p0 .LBB2_1-.Ltmp1, $4  }
0x58: {  	[sflag:s22] =	ssyncset.done $0x0  }
0x59: {  	[sflag:s22] =	ssyncadd.s32 $0xFFFFC000  }
0x5a: {  	_ =	swait.ge [sflag:s22], $0x4000  }
0x5b: {  	[sflag:s22] =	ssyncset.done $0x0  }
.LBB2_2:
0x5c: {  	[sflag:s22] =	ssyncadd.s32 $0xFFFFC000  }
0x5d: {  	_ =	sfence.sel $0x180000  }
0x5e: {  	[bflag:$0x0] =	sbarrier.arrive $0xFFFF  }
0x5f: {  	p0 =	sne.s32 s0, $0x0;
	_ =	strace $0x90000047  }
0x60: {  	s0 =	sadd.s32 @!p0 $0x100000, s2;
	[bflag:$0x2] =	sbarrier.arrive $0xFFFF  }
0x61: {  	[sflag:s0] =	ssyncadd.tile.s32 @!p0 $0x1;
	_ =	shalt  }
.Lfunc_end2:
_tile_overlayer_lowered:
.L_overlay_start_2:
0x62: {  	(tag) =	ssettag $0x2  }
0x63: {  	s0 =	rddreg [dreg:$0x0];
	s2 =	stileid.u32  }
0x64: {  	s1 =	rddreg [dreg:$0x1];
	p0 =	sne.s32 s2, $0x0  }
0x65: {  	s3 =	rddreg [dreg:$0x2];
	[bflag:$0x3] =	sbarrier.arrive $0xFFFF;
	s2 =	simm.s32 @!p0 $0x1C08  }
0x66: {  	[timem:s3], [sflag:s2] =	dma.local @!p0 [hbm:s0], s1  }
0x67: {  	s0 =	simm.s32 @!p0 $0x8  }
0x68: {  	_ =	swait.ge @!p0 [sflag:s0], s1  }
0x69: {  	s1 =	ssub.s32 @!p0 $0x0, s1;
	[sflag:s0] =	ssyncset.done @!p0 $0x0  }
0x6a: {  	[sflag:s0] =	ssyncadd.s32 @!p0 s1  }
0x6b: {  	[bflag:$0x3] =	sbarrier.arrive $0xFFFF  }
0x6c: {  	_ =	shalt  }

</sc_bundles>
